<compile_context>
chip_gen: v7x
topology: tpu7x:2x2x1
jax: 0.10.2.dev20260603
libtpu: 0.0.44.dev20260713+nightly
codegen_flags: <defaults>
</compile_context>

<pallas_src>
import functools

import jax
import jax.numpy as jnp
from jax import lax
from jax.experimental import pallas as pl
from jax.experimental.pallas import tpu as pltpu
from jax.experimental.pallas import tpu_sc as plsc

_T = 0.2
_W = 0.1

_NC = 2
_NS = 16
_NW = _NC * _NS
_B, _P, _K, _C = 8, 16, 32, 256
_ROWS = _B * _P * _K
_RPW = _ROWS // _NW
_WPB = _P * _K // _RPW
_PPW = _RPW // _K


def _sc_body(idx_hbm, feat_hbm, out_hbm, idx2_v, idx_v, rows_v,
             sem0, sem1, sem2, sem3, wsem0, wsem1, wsem2, wsem3):
    sems = (sem0, sem1, sem2, sem3)
    wsems = (wsem0, wsem1, wsem2, wsem3)
    wid = lax.axis_index("s") * _NC + lax.axis_index("c")
    b = wid // _WPB
    p0 = (wid % _WPB) * _PPW
    base = wid * _RPW
    pltpu.sync_copy(idx_hbm.at[b, pl.ds(p0, _PPW)], idx2_v)
    for g in range(_PPW):
        for h in range(_K // 16):
            v = idx2_v[g, pl.ds(h * 16, 16)]
            idx_v[pl.ds(g * _K + h * 16, 16)] = v * _B + b
    copies = [
        pltpu.async_copy(
            feat_hbm.at[idx_v.at[pl.ds(g * _K, _K)]],
            rows_v.at[pl.ds(g * _K, _K)],
            sems[g],
        )
        for g in range(_PPW)
    ]
    writes = []
    for g in range(_PPW):
        copies[g].wait()
        writes.append(pltpu.async_copy(
            rows_v.at[pl.ds(g * _K, _K)],
            out_hbm.at[pl.ds(base + g * _K, _K)],
            wsems[g],
        ))
    for w in writes:
        w.wait()


@functools.cache
def _sc_gather():
    return pl.kernel(
        _sc_body,
        out_type=jax.ShapeDtypeStruct((_ROWS, _C), jnp.float32),
        mesh=plsc.VectorSubcoreMesh(core_axis_name="c", subcore_axis_name="s"),
        scratch_types=[
            pltpu.VMEM((_PPW, _K), jnp.int32),
            pltpu.VMEM((_RPW,), jnp.int32),
            pltpu.VMEM((_RPW, _C), jnp.float32),
            pltpu.SemaphoreType.DMA,
            pltpu.SemaphoreType.DMA,
            pltpu.SemaphoreType.DMA,
            pltpu.SemaphoreType.DMA,
            pltpu.SemaphoreType.DMA,
            pltpu.SemaphoreType.DMA,
            pltpu.SemaphoreType.DMA,
            pltpu.SemaphoreType.DMA,
        ],
    )


def _tc_loss_body(g_ref, proto_ref, out_ref, acc_ref):
    bi = pl.program_id(0)
    g = g_ref[...]
    inv = lax.rsqrt(jnp.sum(g * g, axis=-1, keepdims=True))
    part = jnp.sum(g * inv, axis=(0, 2))

    @pl.when(bi == 0)
    def _init():
        acc_ref[...] = part
        out_ref[...] = jnp.zeros((1, 1), jnp.float32)

    @pl.when(bi == 1)
    def _finish():
        summed = acc_ref[...] + part
        pp = summed * lax.rsqrt(
            jnp.sum(summed * summed, axis=-1, keepdims=True))
        pr = proto_ref[...]
        pn = pr * lax.rsqrt(jnp.sum(pr * pr, axis=-1, keepdims=True))
        sim = jnp.dot(pp, pn.T, preferred_element_type=jnp.float32) / _T
        rowsum = jnp.sum(jnp.exp(sim), axis=1)
        ii = lax.broadcasted_iota(jnp.int32, (_P, _P), 0)
        jj = lax.broadcasted_iota(jnp.int32, (_P, _P), 1)
        diag = jnp.sum(jnp.where(ii == jj, sim, 0.0), axis=1)
        loss = (_W / _P) * jnp.sum(jnp.log(rowsum) - diag)
        out_ref[...] = jnp.reshape(loss, (1, 1))


_tc_loss = pl.pallas_call(
    _tc_loss_body,
    grid=(2,),
    in_specs=[
        pl.BlockSpec((_B // 2, _P, _K, _C), lambda b: (b, 0, 0, 0)),
        pl.BlockSpec((_P, _C), lambda b: (0, 0)),
    ],
    out_specs=pl.BlockSpec((1, 1), lambda b: (0, 0)),
    out_shape=jax.ShapeDtypeStruct((1, 1), jnp.float32),
    scratch_shapes=[pltpu.VMEM((_P, _C), jnp.float32)],
)


def kernel(primlabel, features, prototype):
    feat2d = features.reshape(-1, _C)
    gathered = _sc_gather()(primlabel, feat2d)
    loss = _tc_loss(gathered.reshape(_B, _P, _K, _C), prototype)
    return loss.reshape(())

# --- scband reference (transcript-rebuilt; emitter-appended) ---
"""Pipeline reference for scband-primitive-clloss-75685913690506 (READ-ONLY COPY).

The authoritative reference and input builder live on the scoring server;
editing this copy changes nothing except your own understanding.
"""

import jax, jax.numpy as jnp
import numpy as np

T = 0.2
W = 0.1
EPS = 1e-08


def setup_inputs(seed: int = 0) -> dict:
    key = jax.random.key(seed)
    k1, k2, k3 = jax.random.split(key, 3)
    primlabel = jax.random.randint(k1, (8, 16, 32), 0, 4096, dtype=jnp.int32)
    features = jax.random.normal(k2, (4096, 8, 256), dtype=jnp.float32)
    prototype = jax.random.normal(k3, (16, 256), dtype=jnp.float32)
    return {"primlabel": primlabel, "features": features, "prototype": prototype}


def _prim_feature_extractor(primlabel, features, prototype):
    # features: [S, B, C] -> permute(1,0,2) -> [B, S, C]
    feats = jnp.transpose(features, (1, 0, 2))
    B = feats.shape[0]
    idx = primlabel  # [B, P, K]
    mask = (idx != -1)
    safe_idx = jnp.where(mask, idx, 0)
    # gather: [B, P, K, C]
    gathered = feats[jnp.arange(B)[:, None, None], safe_idx]
    # per-feature L2 normalization (feature.div(feature_norm) in torch)
    norms = jnp.linalg.norm(gathered, ord=2, axis=-1, keepdims=True)
    gnorm = gathered / norms
    m = mask[..., None].astype(jnp.float32)
    summed = jnp.sum(gnorm * m, axis=(0, 2))  # [P, C]
    count = jnp.sum(mask, axis=(0, 2)).astype(jnp.float32)  # [P]
    mean_p = summed / jnp.maximum(count, 1.0)[:, None]
    # empty primitive -> fall back to prototype[p]
    mean_p = jnp.where(count[:, None] > 0, mean_p, prototype)
    prim_prototype = mean_p / jnp.linalg.norm(mean_p, ord=2, axis=-1, keepdims=True)
    return prim_prototype


def _proj(prim_prototype, prototype):
    # PrimitiveProj with if_proj=False: pass-through cosine similarity between
    # normalized primitive means and normalized prototypes -> [P, P]
    proto_norm = prototype / jnp.linalg.norm(prototype, ord=2, axis=-1, keepdims=True)
    sim_prototype = prim_prototype @ proto_norm.T
    return sim_prototype


def _class_agnostic_clLoss(sim_prototype):
    sim = sim_prototype / T
    proto_num = sim.shape[0]
    sim = jnp.exp(sim)
    pos_sim = jnp.diagonal(sim)
    all_sim = jnp.sum(sim, axis=1)
    term = -jnp.log(pos_sim / all_sim)
    loss = jnp.sum(term) / proto_num
    loss = loss * W
    return loss


def reference(primlabel, features, prototype):
    prototype = jax.lax.stop_gradient(prototype)  # prototype.detach()
    prim_prototype = _prim_feature_extractor(primlabel, features, prototype)
    sim_prototype = _proj(prim_prototype, prototype)
    # NOTE: original also computes sim_point / primitive_pointloss but discards it;
    # only primitive_protoloss is returned, so output is identical.
    return _class_agnostic_clLoss(sim_prototype)

if __name__ == "__main__":
    import jax
    _d = setup_inputs()
    print(jax.jit(kernel)(*tuple(_d.values())))

</pallas_src>

<mosaic_0001>
#map = affine_map<(d0, d1) -> (0, 0, 0)>
#map1 = affine_map<(d0, d1) -> (0, 0)>
module attributes {stable_mosaic.version = 14 : i64} {
  func.func @_sc_body(%arg0: i32, %arg1: i32, %arg2: memref<8x16x32xi32, #tpu.memory_space<hbm>>, %arg3: memref<32768x256xf32, #tpu.memory_space<hbm>>, %arg4: memref<4096x256xf32, #tpu.memory_space<hbm>>, %arg5: memref<4x32xi32, #tpu.memory_space<vmem>>, %arg6: memref<128xi32, #tpu.memory_space<vmem>>, %arg7: memref<128x256xf32, #tpu.memory_space<vmem>>, %arg8: memref<!tpu.dma_semaphore, #tpu.memory_space<semaphore_mem>>, %arg9: memref<!tpu.dma_semaphore, #tpu.memory_space<semaphore_mem>>, %arg10: memref<!tpu.dma_semaphore, #tpu.memory_space<semaphore_mem>>, %arg11: memref<!tpu.dma_semaphore, #tpu.memory_space<semaphore_mem>>, %arg12: memref<!tpu.dma_semaphore, #tpu.memory_space<semaphore_mem>>, %arg13: memref<!tpu.dma_semaphore, #tpu.memory_space<semaphore_mem>>, %arg14: memref<!tpu.dma_semaphore, #tpu.memory_space<semaphore_mem>>, %arg15: memref<!tpu.dma_semaphore, #tpu.memory_space<semaphore_mem>>) attributes {dimension_semantics = [#tpu.dimension_semantics<core_parallel>, #tpu.dimension_semantics<subcore_parallel>], iteration_bounds = array<i64: 2, 16>, scalar_prefetch = 0 : i64, scratch_operands = 11 : i64, tpu.core_type = #tpu.core_type<sc_vector_subcore>, window_params = [{transform_indices = #map}, {transform_indices = #map1}, {transform_indices = #map1}]} {
    %mul3A = arith.constant 2 : i32
    %mul3A_0 = arith.muli %arg1, %mul3A : i32
    %add3A = arith.addi %mul3A_0, %arg0 : i32
    %jit3A = arith.constant 4 : i32
    %div3A = arith.divsi %add3A, %jit3A : i32
    %sign3A = arith.constant 0 : i32
    %sign3A_1 = arith.cmpi sgt, %add3A, %sign3A : i32
    %sign3A_2 = arith.extui %sign3A_1 : i1 to i32
    %sign3A_3 = arith.constant 0 : i32
    %sign3A_4 = arith.cmpi slt, %add3A, %sign3A_3 : i32
    %sign3A_5 = arith.extui %sign3A_4 : i1 to i32
    %sign3A_6 = arith.subi %sign3A_2, %sign3A_5 : i32
    %sign3A_7 = arith.constant 0 : i32
    %sign3A_8 = arith.cmpi sgt, %jit3A, %sign3A_7 : i32
    %sign3A_9 = arith.extui %sign3A_8 : i1 to i32
    %sign3A_10 = arith.constant 0 : i32
    %sign3A_11 = arith.cmpi slt, %jit3A, %sign3A_10 : i32
    %sign3A_12 = arith.extui %sign3A_11 : i1 to i32
    %sign3A_13 = arith.subi %sign3A_9, %sign3A_12 : i32
    %ne3A = arith.cmpi ne, %sign3A_6, %sign3A_13 : i32
    %rem3A = arith.remsi %add3A, %jit3A : i32
    %ne3A_14 = arith.constant 0 : i32
    %ne3A_15 = arith.cmpi ne, %rem3A, %ne3A_14 : i32
    %and3A = arith.andi %ne3A, %ne3A_15 : i1
    %sub3A = arith.constant 1 : i32
    %sub3A_16 = arith.subi %div3A, %sub3A : i32
    %select_n3A = arith.select %and3A, %sub3A_16, %div3A : i32
    %jit3A_17 = arith.constant 4 : i32
    %eq3A = arith.constant 0 : i32
    %eq3A_18 = arith.cmpi eq, %jit3A_17, %eq3A : i32
    %jit3A_19 = arith.constant 1 : i32
    %select_n3A_20 = arith.select %eq3A_18, %jit3A_19, %jit3A_17 : i32
    %rem3A_21 = arith.remsi %add3A, %select_n3A_20 : i32
    %ne3A_22 = arith.constant 0 : i32
    %ne3A_23 = arith.cmpi ne, %rem3A_21, %ne3A_22 : i32
    %lt3A = arith.constant 0 : i32
    %lt3A_24 = arith.cmpi slt, %rem3A_21, %lt3A : i32
    %lt3A_25 = arith.constant 0 : i32
    %lt3A_26 = arith.cmpi slt, %select_n3A_20, %lt3A_25 : i32
    %ne3A_27 = arith.xori %lt3A_24, %lt3A_26 : i1
    %and3A_28 = arith.andi %ne3A_27, %ne3A_23 : i1
    %add3A_29 = arith.addi %rem3A_21, %select_n3A_20 : i32
    %select_n3A_30 = arith.select %and3A_28, %add3A_29, %rem3A_21 : i32
    %mul3A_31 = arith.constant 4 : i32
    %mul3A_32 = arith.muli %select_n3A_30, %mul3A_31 : i32
    %mul3A_33 = arith.constant 128 : i32
    %mul3A_34 = arith.muli %add3A, %mul3A_33 : i32
    "tpu.region"() ({
      %run_scoped3A = tpu.sem_alloc : memref<!tpu.dma_semaphore, #tpu.memory_space<semaphore_mem>>
      %dma_start3A_295 = arith.constant 0 : i32
      %dma_start3A_296 = tpu.memref_slice %arg2[%select_n3A, %mul3A_32, %dma_start3A_295] : memref<8x16x32xi32, #tpu.memory_space<hbm>> -> memref<1x4x32xi32, #tpu.memory_space<hbm>>
      %dma_start3A_297 = tpu.memref_squeeze %dma_start3A_296 : memref<1x4x32xi32, #tpu.memory_space<hbm>> -> memref<4x32xi32, #tpu.memory_space<hbm>>
      %dma_start3A_298 = arith.constant 0 : i32
      %dma_start3A_299 = tpu.memref_slice %arg2[%select_n3A, %mul3A_32, %dma_start3A_298] : memref<8x16x32xi32, #tpu.memory_space<hbm>> -> memref<1x4x32xi32, #tpu.memory_space<hbm>>
      %dma_start3A_300 = tpu.memref_squeeze %dma_start3A_299 : memref<1x4x32xi32, #tpu.memory_space<hbm>> -> memref<4x32xi32, #tpu.memory_space<hbm>>
      tpu.enqueue_dma source(%dma_start3A_300 : memref<4x32xi32, #tpu.memory_space<hbm>>) target(%arg5 : memref<4x32xi32, #tpu.memory_space<vmem>>) target_semaphore(%run_scoped3A : memref<!tpu.dma_semaphore, #tpu.memory_space<semaphore_mem>>)
      %dma_wait3A_301 = arith.constant 0 : i32
      %dma_wait3A_302 = tpu.memref_slice %arg2[%select_n3A, %mul3A_32, %dma_wait3A_301] : memref<8x16x32xi32, #tpu.memory_space<hbm>> -> memref<1x4x32xi32, #tpu.memory_space<hbm>>
      %dma_wait3A_303 = tpu.memref_squeeze %dma_wait3A_302 : memref<1x4x32xi32, #tpu.memory_space<hbm>> -> memref<4x32xi32, #tpu.memory_space<hbm>>
      %dma_wait3A_304 = arith.constant 0 : i32
      %dma_wait3A_305 = tpu.memref_slice %arg2[%select_n3A, %mul3A_32, %dma_wait3A_304] : memref<8x16x32xi32, #tpu.memory_space<hbm>> -> memref<1x4x32xi32, #tpu.memory_space<hbm>>
      %dma_wait3A_306 = tpu.memref_squeeze %dma_wait3A_305 : memref<1x4x32xi32, #tpu.memory_space<hbm>> -> memref<4x32xi32, #tpu.memory_space<hbm>>
      tpu.wait_dma2 semaphore(%run_scoped3A : memref<!tpu.dma_semaphore, #tpu.memory_space<semaphore_mem>>) src(%dma_wait3A_306 : memref<4x32xi32, #tpu.memory_space<hbm>>) dst(%arg5 : memref<4x32xi32, #tpu.memory_space<vmem>>)
      tpu.yield
    }) : () -> ()
    %get3A = arith.constant 0 : i32
    %get3A_35 = arith.index_cast %get3A : i32 to index
    %get3A_36 = arith.constant 0 : index
    %get3A_37 = tpu.vector_load %arg5[%get3A_35, %get3A_36] {strides = array<i32>} : memref<4x32xi32, #tpu.memory_space<vmem>>, vector<1x16xi32>,
    %get3A_38 = vector.shape_cast %get3A_37 : vector<1x16xi32> to vector<16xi32>
    %mul3A_39 = arith.constant 8 : i32
    %mul3A_40 = vector.broadcast %mul3A_39 : i32 to vector<16xi32>
    %mul3A_41 = arith.muli %get3A_38, %mul3A_40 : vector<16xi32>
    %add3A_42 = vector.broadcast %select_n3A : i32 to vector<16xi32>
    %add3A_43 = arith.addi %mul3A_41, %add3A_42 : vector<16xi32>
    %swap3A = arith.constant 0 : index
    %swap3A_44 = tpu.vector_load %arg6[%swap3A] {strides = array<i32>} : memref<128xi32, #tpu.memory_space<vmem>>, vector<16xi32>,
    %swap3A_45 = vector.shape_cast %swap3A_44 : vector<16xi32> to vector<16xi32>
    %swap3A_46 = vector.shape_cast %add3A_43 : vector<16xi32> to vector<16xi32>
    tpu.vector_store %arg6[%swap3A], %swap3A_46 {strides = array<i32>} : memref<128xi32, #tpu.memory_space<vmem>>, vector<16xi32>,
    %get3A_47 = arith.constant 0 : i32
    %get3A_48 = arith.index_cast %get3A_47 : i32 to index
    %get3A_49 = arith.constant 16 : index
    %get3A_50 = tpu.vector_load %arg5[%get3A_48, %get3A_49] {strides = array<i32>} : memref<4x32xi32, #tpu.memory_space<vmem>>, vector<1x16xi32>,
    %get3A_51 = vector.shape_cast %get3A_50 : vector<1x16xi32> to vector<16xi32>
    %mul3A_52 = arith.constant 8 : i32
    %mul3A_53 = vector.broadcast %mul3A_52 : i32 to vector<16xi32>
    %mul3A_54 = arith.muli %get3A_51, %mul3A_53 : vector<16xi32>
    %add3A_55 = vector.broadcast %select_n3A : i32 to vector<16xi32>
    %add3A_56 = arith.addi %mul3A_54, %add3A_55 : vector<16xi32>
    %swap3A_57 = arith.constant 16 : index
    %swap3A_58 = tpu.vector_load %arg6[%swap3A_57] {strides = array<i32>} : memref<128xi32, #tpu.memory_space<vmem>>, vector<16xi32>,
    %swap3A_59 = vector.shape_cast %swap3A_58 : vector<16xi32> to vector<16xi32>
    %swap3A_60 = vector.shape_cast %add3A_56 : vector<16xi32> to vector<16xi32>
    tpu.vector_store %arg6[%swap3A_57], %swap3A_60 {strides = array<i32>} : memref<128xi32, #tpu.memory_space<vmem>>, vector<16xi32>,
    %get3A_61 = arith.constant 1 : i32
    %get3A_62 = arith.index_cast %get3A_61 : i32 to index
    %get3A_63 = arith.constant 0 : index
    %get3A_64 = tpu.vector_load %arg5[%get3A_62, %get3A_63] {strides = array<i32>} : memref<4x32xi32, #tpu.memory_space<vmem>>, vector<1x16xi32>,
    %get3A_65 = vector.shape_cast %get3A_64 : vector<1x16xi32> to vector<16xi32>
    %mul3A_66 = arith.constant 8 : i32
    %mul3A_67 = vector.broadcast %mul3A_66 : i32 to vector<16xi32>
    %mul3A_68 = arith.muli %get3A_65, %mul3A_67 : vector<16xi32>
    %add3A_69 = vector.broadcast %select_n3A : i32 to vector<16xi32>
    %add3A_70 = arith.addi %mul3A_68, %add3A_69 : vector<16xi32>
    %swap3A_71 = arith.constant 32 : index
    %swap3A_72 = tpu.vector_load %arg6[%swap3A_71] {strides = array<i32>} : memref<128xi32, #tpu.memory_space<vmem>>, vector<16xi32>,
    %swap3A_73 = vector.shape_cast %swap3A_72 : vector<16xi32> to vector<16xi32>
    %swap3A_74 = vector.shape_cast %add3A_70 : vector<16xi32> to vector<16xi32>
    tpu.vector_store %arg6[%swap3A_71], %swap3A_74 {strides = array<i32>} : memref<128xi32, #tpu.memory_space<vmem>>, vector<16xi32>,
    %get3A_75 = arith.constant 1 : i32
    %get3A_76 = arith.index_cast %get3A_75 : i32 to index
    %get3A_77 = arith.constant 16 : index
    %get3A_78 = tpu.vector_load %arg5[%get3A_76, %get3A_77] {strides = array<i32>} : memref<4x32xi32, #tpu.memory_space<vmem>>, vector<1x16xi32>,
    %get3A_79 = vector.shape_cast %get3A_78 : vector<1x16xi32> to vector<16xi32>
    %mul3A_80 = arith.constant 8 : i32
    %mul3A_81 = vector.broadcast %mul3A_80 : i32 to vector<16xi32>
    %mul3A_82 = arith.muli %get3A_79, %mul3A_81 : vector<16xi32>
    %add3A_83 = vector.broadcast %select_n3A : i32 to vector<16xi32>
    %add3A_84 = arith.addi %mul3A_82, %add3A_83 : vector<16xi32>
    %swap3A_85 = arith.constant 48 : index
    %swap3A_86 = tpu.vector_load %arg6[%swap3A_85] {strides = array<i32>} : memref<128xi32, #tpu.memory_space<vmem>>, vector<16xi32>,
    %swap3A_87 = vector.shape_cast %swap3A_86 : vector<16xi32> to vector<16xi32>
    %swap3A_88 = vector.shape_cast %add3A_84 : vector<16xi32> to vector<16xi32>
    tpu.vector_store %arg6[%swap3A_85], %swap3A_88 {strides = array<i32>} : memref<128xi32, #tpu.memory_space<vmem>>, vector<16xi32>,
    %get3A_89 = arith.constant 2 : i32
    %get3A_90 = arith.index_cast %get3A_89 : i32 to index
    %get3A_91 = arith.constant 0 : index
    %get3A_92 = tpu.vector_load %arg5[%get3A_90, %get3A_91] {strides = array<i32>} : memref<4x32xi32, #tpu.memory_space<vmem>>, vector<1x16xi32>,
    %get3A_93 = vector.shape_cast %get3A_92 : vector<1x16xi32> to vector<16xi32>
    %mul3A_94 = arith.constant 8 : i32
    %mul3A_95 = vector.broadcast %mul3A_94 : i32 to vector<16xi32>
    %mul3A_96 = arith.muli %get3A_93, %mul3A_95 : vector<16xi32>
    %add3A_97 = vector.broadcast %select_n3A : i32 to vector<16xi32>
    %add3A_98 = arith.addi %mul3A_96, %add3A_97 : vector<16xi32>
    %swap3A_99 = arith.constant 64 : index
    %swap3A_100 = tpu.vector_load %arg6[%swap3A_99] {strides = array<i32>} : memref<128xi32, #tpu.memory_space<vmem>>, vector<16xi32>,
    %swap3A_101 = vector.shape_cast %swap3A_100 : vector<16xi32> to vector<16xi32>
    %swap3A_102 = vector.shape_cast %add3A_98 : vector<16xi32> to vector<16xi32>
    tpu.vector_store %arg6[%swap3A_99], %swap3A_102 {strides = array<i32>} : memref<128xi32, #tpu.memory_space<vmem>>, vector<16xi32>,
    %get3A_103 = arith.constant 2 : i32
    %get3A_104 = arith.index_cast %get3A_103 : i32 to index
    %get3A_105 = arith.constant 16 : index
    %get3A_106 = tpu.vector_load %arg5[%get3A_104, %get3A_105] {strides = array<i32>} : memref<4x32xi32, #tpu.memory_space<vmem>>, vector<1x16xi32>,
    %get3A_107 = vector.shape_cast %get3A_106 : vector<1x16xi32> to vector<16xi32>
    %mul3A_108 = arith.constant 8 : i32
    %mul3A_109 = vector.broadcast %mul3A_108 : i32 to vector<16xi32>
    %mul3A_110 = arith.muli %get3A_107, %mul3A_109 : vector<16xi32>
    %add3A_111 = vector.broadcast %select_n3A : i32 to vector<16xi32>
    %add3A_112 = arith.addi %mul3A_110, %add3A_111 : vector<16xi32>
    %swap3A_113 = arith.constant 80 : index
    %swap3A_114 = tpu.vector_load %arg6[%swap3A_113] {strides = array<i32>} : memref<128xi32, #tpu.memory_space<vmem>>, vector<16xi32>,
    %swap3A_115 = vector.shape_cast %swap3A_114 : vector<16xi32> to vector<16xi32>
    %swap3A_116 = vector.shape_cast %add3A_112 : vector<16xi32> to vector<16xi32>
    tpu.vector_store %arg6[%swap3A_113], %swap3A_116 {strides = array<i32>} : memref<128xi32, #tpu.memory_space<vmem>>, vector<16xi32>,
    %get3A_117 = arith.constant 3 : i32
    %get3A_118 = arith.index_cast %get3A_117 : i32 to index
    %get3A_119 = arith.constant 0 : index
    %get3A_120 = tpu.vector_load %arg5[%get3A_118, %get3A_119] {strides = array<i32>} : memref<4x32xi32, #tpu.memory_space<vmem>>, vector<1x16xi32>,
    %get3A_121 = vector.shape_cast %get3A_120 : vector<1x16xi32> to vector<16xi32>
    %mul3A_122 = arith.constant 8 : i32
    %mul3A_123 = vector.broadcast %mul3A_122 : i32 to vector<16xi32>
    %mul3A_124 = arith.muli %get3A_121, %mul3A_123 : vector<16xi32>
    %add3A_125 = vector.broadcast %select_n3A : i32 to vector<16xi32>
    %add3A_126 = arith.addi %mul3A_124, %add3A_125 : vector<16xi32>
    %swap3A_127 = arith.constant 96 : index
    %swap3A_128 = tpu.vector_load %arg6[%swap3A_127] {strides = array<i32>} : memref<128xi32, #tpu.memory_space<vmem>>, vector<16xi32>,
    %swap3A_129 = vector.shape_cast %swap3A_128 : vector<16xi32> to vector<16xi32>
    %swap3A_130 = vector.shape_cast %add3A_126 : vector<16xi32> to vector<16xi32>
    tpu.vector_store %arg6[%swap3A_127], %swap3A_130 {strides = array<i32>} : memref<128xi32, #tpu.memory_space<vmem>>, vector<16xi32>,
    %get3A_131 = arith.constant 3 : i32
    %get3A_132 = arith.index_cast %get3A_131 : i32 to index
    %get3A_133 = arith.constant 16 : index
    %get3A_134 = tpu.vector_load %arg5[%get3A_132, %get3A_133] {strides = array<i32>} : memref<4x32xi32, #tpu.memory_space<vmem>>, vector<1x16xi32>,
    %get3A_135 = vector.shape_cast %get3A_134 : vector<1x16xi32> to vector<16xi32>
    %mul3A_136 = arith.constant 8 : i32
    %mul3A_137 = vector.broadcast %mul3A_136 : i32 to vector<16xi32>
    %mul3A_138 = arith.muli %get3A_135, %mul3A_137 : vector<16xi32>
    %add3A_139 = vector.broadcast %select_n3A : i32 to vector<16xi32>
    %add3A_140 = arith.addi %mul3A_138, %add3A_139 : vector<16xi32>
    %swap3A_141 = arith.constant 112 : index
    %swap3A_142 = tpu.vector_load %arg6[%swap3A_141] {strides = array<i32>} : memref<128xi32, #tpu.memory_space<vmem>>, vector<16xi32>,
    %swap3A_143 = vector.shape_cast %swap3A_142 : vector<16xi32> to vector<16xi32>
    %swap3A_144 = vector.shape_cast %add3A_140 : vector<16xi32> to vector<16xi32>
    tpu.vector_store %arg6[%swap3A_141], %swap3A_144 {strides = array<i32>} : memref<128xi32, #tpu.memory_space<vmem>>, vector<16xi32>,
    %dma_start3A = arith.constant 0 : i32
    %dma_start3A_145 = arith.constant 0 : i32
    %dma_start3A_146 = tpu.memref_slice %arg7[%dma_start3A, %dma_start3A_145] : memref<128x256xf32, #tpu.memory_space<vmem>> -> memref<32x256xf32, #tpu.memory_space<vmem>>
    %dma_start3A_147 = arith.constant 0 : i32
    %dma_start3A_148 = tpu.memref_slice %arg6[%dma_start3A_147] : memref<128xi32, #tpu.memory_space<vmem>> -> memref<32xi32, #tpu.memory_space<vmem>>
    %dma_start3A_149 = arith.constant 0 : i32
    %dma_start3A_150 = arith.constant 0 : i32
    %dma_start3A_151 = tpu.memref_slice %arg3[%dma_start3A_149, %dma_start3A_150] : memref<32768x256xf32, #tpu.memory_space<hbm>> -> memref<32768x256xf32, #tpu.memory_space<hbm>>
    tpu.enqueue_indirect_dma source(%dma_start3A_151 : memref<32768x256xf32, #tpu.memory_space<hbm>>) target(%dma_start3A_146 : memref<32x256xf32, #tpu.memory_space<vmem>>) offsets(%dma_start3A_148 : memref<32xi32, #tpu.memory_space<vmem>>) semaphore(%arg8 : memref<!tpu.dma_semaphore, #tpu.memory_space<semaphore_mem>>)
    %dma_start3A_152 = arith.constant 32 : i32
    %dma_start3A_153 = arith.constant 0 : i32
    %dma_start3A_154 = tpu.memref_slice %arg7[%dma_start3A_152, %dma_start3A_153] : memref<128x256xf32, #tpu.memory_space<vmem>> -> memref<32x256xf32, #tpu.memory_space<vmem>>
    %dma_start3A_155 = arith.constant 32 : i32
    %dma_start3A_156 = tpu.memref_slice %arg6[%dma_start3A_155] : memref<128xi32, #tpu.memory_space<vmem>> -> memref<32xi32, #tpu.memory_space<vmem>>
    %dma_start3A_157 = arith.constant 0 : i32
    %dma_start3A_158 = arith.constant 0 : i32
    %dma_start3A_159 = tpu.memref_slice %arg3[%dma_start3A_157, %dma_start3A_158] : memref<32768x256xf32, #tpu.memory_space<hbm>> -> memref<32768x256xf32, #tpu.memory_space<hbm>>
    tpu.enqueue_indirect_dma source(%dma_start3A_159 : memref<32768x256xf32, #tpu.memory_space<hbm>>) target(%dma_start3A_154 : memref<32x256xf32, #tpu.memory_space<vmem>>) offsets(%dma_start3A_156 : memref<32xi32, #tpu.memory_space<vmem>>) semaphore(%arg9 : memref<!tpu.dma_semaphore, #tpu.memory_space<semaphore_mem>>)
    %dma_start3A_160 = arith.constant 64 : i32
    %dma_start3A_161 = arith.constant 0 : i32
    %dma_start3A_162 = tpu.memref_slice %arg7[%dma_start3A_160, %dma_start3A_161] : memref<128x256xf32, #tpu.memory_space<vmem>> -> memref<32x256xf32, #tpu.memory_space<vmem>>
    %dma_start3A_163 = arith.constant 64 : i32
    %dma_start3A_164 = tpu.memref_slice %arg6[%dma_start3A_163] : memref<128xi32, #tpu.memory_space<vmem>> -> memref<32xi32, #tpu.memory_space<vmem>>
    %dma_start3A_165 = arith.constant 0 : i32
    %dma_start3A_166 = arith.constant 0 : i32
    %dma_start3A_167 = tpu.memref_slice %arg3[%dma_start3A_165, %dma_start3A_166] : memref<32768x256xf32, #tpu.memory_space<hbm>> -> memref<32768x256xf32, #tpu.memory_space<hbm>>
    tpu.enqueue_indirect_dma source(%dma_start3A_167 : memref<32768x256xf32, #tpu.memory_space<hbm>>) target(%dma_start3A_162 : memref<32x256xf32, #tpu.memory_space<vmem>>) offsets(%dma_start3A_164 : memref<32xi32, #tpu.memory_space<vmem>>) semaphore(%arg10 : memref<!tpu.dma_semaphore, #tpu.memory_space<semaphore_mem>>)
    %dma_start3A_168 = arith.constant 96 : i32
    %dma_start3A_169 = arith.constant 0 : i32
    %dma_start3A_170 = tpu.memref_slice %arg7[%dma_start3A_168, %dma_start3A_169] : memref<128x256xf32, #tpu.memory_space<vmem>> -> memref<32x256xf32, #tpu.memory_space<vmem>>
    %dma_start3A_171 = arith.constant 96 : i32
    %dma_start3A_172 = tpu.memref_slice %arg6[%dma_start3A_171] : memref<128xi32, #tpu.memory_space<vmem>> -> memref<32xi32, #tpu.memory_space<vmem>>
    %dma_start3A_173 = arith.constant 0 : i32
    %dma_start3A_174 = arith.constant 0 : i32
    %dma_start3A_175 = tpu.memref_slice %arg3[%dma_start3A_173, %dma_start3A_174] : memref<32768x256xf32, #tpu.memory_space<hbm>> -> memref<32768x256xf32, #tpu.memory_space<hbm>>
    tpu.enqueue_indirect_dma source(%dma_start3A_175 : memref<32768x256xf32, #tpu.memory_space<hbm>>) target(%dma_start3A_170 : memref<32x256xf32, #tpu.memory_space<vmem>>) offsets(%dma_start3A_172 : memref<32xi32, #tpu.memory_space<vmem>>) semaphore(%arg11 : memref<!tpu.dma_semaphore, #tpu.memory_space<semaphore_mem>>)
    %dma_wait3A = arith.constant 0 : i32
    %dma_wait3A_176 = arith.constant 0 : i32
    %dma_wait3A_177 = tpu.memref_slice %arg7[%dma_wait3A, %dma_wait3A_176] : memref<128x256xf32, #tpu.memory_space<vmem>> -> memref<32x256xf32, #tpu.memory_space<vmem>>
    %dma_wait3A_178 = arith.constant 0 : i32
    %dma_wait3A_179 = tpu.memref_slice %arg6[%dma_wait3A_178] : memref<128xi32, #tpu.memory_space<vmem>> -> memref<32xi32, #tpu.memory_space<vmem>>
    %dma_wait3A_180 = arith.constant 0 : i32
    %dma_wait3A_181 = arith.constant 0 : i32
    %dma_wait3A_182 = tpu.memref_slice %arg3[%dma_wait3A_180, %dma_wait3A_181] : memref<32768x256xf32, #tpu.memory_space<hbm>> -> memref<32768x256xf32, #tpu.memory_space<hbm>>
    tpu.wait_indirect_dma semaphore(%arg8 : memref<!tpu.dma_semaphore, #tpu.memory_space<semaphore_mem>>) src(%dma_wait3A_182 : memref<32768x256xf32, #tpu.memory_space<hbm>>) dst(%dma_wait3A_177 : memref<32x256xf32, #tpu.memory_space<vmem>>)
    %add3A_183 = arith.constant 0 : i32
    %add3A_184 = arith.addi %mul3A_34, %add3A_183 : i32
    %dma_start3A_185 = arith.constant 0 : i32
    %dma_start3A_186 = arith.constant 0 : i32
    %dma_start3A_187 = tpu.memref_slice %arg7[%dma_start3A_185, %dma_start3A_186] : memref<128x256xf32, #tpu.memory_space<vmem>> -> memref<32x256xf32, #tpu.memory_space<vmem>>
    %dma_start3A_188 = arith.constant 0 : i32
    %dma_start3A_189 = tpu.memref_slice %arg4[%add3A_184, %dma_start3A_188] : memref<4096x256xf32, #tpu.memory_space<hbm>> -> memref<32x256xf32, #tpu.memory_space<hbm>>
    %dma_start3A_190 = arith.constant 0 : i32
    %dma_start3A_191 = tpu.memref_slice %arg4[%add3A_184, %dma_start3A_190] : memref<4096x256xf32, #tpu.memory_space<hbm>> -> memref<32x256xf32, #tpu.memory_space<hbm>>
    %dma_start3A_192 = arith.constant 0 : i32
    %dma_start3A_193 = arith.constant 0 : i32
    %dma_start3A_194 = tpu.memref_slice %arg7[%dma_start3A_192, %dma_start3A_193] : memref<128x256xf32, #tpu.memory_space<vmem>> -> memref<32x256xf32, #tpu.memory_space<vmem>>
    tpu.enqueue_dma source(%dma_start3A_194 : memref<32x256xf32, #tpu.memory_space<vmem>>) target(%dma_start3A_191 : memref<32x256xf32, #tpu.memory_space<hbm>>) target_semaphore(%arg12 : memref<!tpu.dma_semaphore, #tpu.memory_space<semaphore_mem>>)
    %dma_wait3A_195 = arith.constant 32 : i32
    %dma_wait3A_196 = arith.constant 0 : i32
    %dma_wait3A_197 = tpu.memref_slice %arg7[%dma_wait3A_195, %dma_wait3A_196] : memref<128x256xf32, #tpu.memory_space<vmem>> -> memref<32x256xf32, #tpu.memory_space<vmem>>
    %dma_wait3A_198 = arith.constant 32 : i32
    %dma_wait3A_199 = tpu.memref_slice %arg6[%dma_wait3A_198] : memref<128xi32, #tpu.memory_space<vmem>> -> memref<32xi32, #tpu.memory_space<vmem>>
    %dma_wait3A_200 = arith.constant 0 : i32
    %dma_wait3A_201 = arith.constant 0 : i32
    %dma_wait3A_202 = tpu.memref_slice %arg3[%dma_wait3A_200, %dma_wait3A_201] : memref<32768x256xf32, #tpu.memory_space<hbm>> -> memref<32768x256xf32, #tpu.memory_space<hbm>>
    tpu.wait_indirect_dma semaphore(%arg9 : memref<!tpu.dma_semaphore, #tpu.memory_space<semaphore_mem>>) src(%dma_wait3A_202 : memref<32768x256xf32, #tpu.memory_space<hbm>>) dst(%dma_wait3A_197 : memref<32x256xf32, #tpu.memory_space<vmem>>)
    %add3A_203 = arith.constant 32 : i32
    %add3A_204 = arith.addi %mul3A_34, %add3A_203 : i32
    %dma_start3A_205 = arith.constant 32 : i32
    %dma_start3A_206 = arith.constant 0 : i32
    %dma_start3A_207 = tpu.memref_slice %arg7[%dma_start3A_205, %dma_start3A_206] : memref<128x256xf32, #tpu.memory_space<vmem>> -> memref<32x256xf32, #tpu.memory_space<vmem>>
    %dma_start3A_208 = arith.constant 0 : i32
    %dma_start3A_209 = tpu.memref_slice %arg4[%add3A_204, %dma_start3A_208] : memref<4096x256xf32, #tpu.memory_space<hbm>> -> memref<32x256xf32, #tpu.memory_space<hbm>>
    %dma_start3A_210 = arith.constant 0 : i32
    %dma_start3A_211 = tpu.memref_slice %arg4[%add3A_204, %dma_start3A_210] : memref<4096x256xf32, #tpu.memory_space<hbm>> -> memref<32x256xf32, #tpu.memory_space<hbm>>
    %dma_start3A_212 = arith.constant 32 : i32
    %dma_start3A_213 = arith.constant 0 : i32
    %dma_start3A_214 = tpu.memref_slice %arg7[%dma_start3A_212, %dma_start3A_213] : memref<128x256xf32, #tpu.memory_space<vmem>> -> memref<32x256xf32, #tpu.memory_space<vmem>>
    tpu.enqueue_dma source(%dma_start3A_214 : memref<32x256xf32, #tpu.memory_space<vmem>>) target(%dma_start3A_211 : memref<32x256xf32, #tpu.memory_space<hbm>>) target_semaphore(%arg13 : memref<!tpu.dma_semaphore, #tpu.memory_space<semaphore_mem>>)
    %dma_wait3A_215 = arith.constant 64 : i32
    %dma_wait3A_216 = arith.constant 0 : i32
    %dma_wait3A_217 = tpu.memref_slice %arg7[%dma_wait3A_215, %dma_wait3A_216] : memref<128x256xf32, #tpu.memory_space<vmem>> -> memref<32x256xf32, #tpu.memory_space<vmem>>
    %dma_wait3A_218 = arith.constant 64 : i32
    %dma_wait3A_219 = tpu.memref_slice %arg6[%dma_wait3A_218] : memref<128xi32, #tpu.memory_space<vmem>> -> memref<32xi32, #tpu.memory_space<vmem>>
    %dma_wait3A_220 = arith.constant 0 : i32
    %dma_wait3A_221 = arith.constant 0 : i32
    %dma_wait3A_222 = tpu.memref_slice %arg3[%dma_wait3A_220, %dma_wait3A_221] : memref<32768x256xf32, #tpu.memory_space<hbm>> -> memref<32768x256xf32, #tpu.memory_space<hbm>>
    tpu.wait_indirect_dma semaphore(%arg10 : memref<!tpu.dma_semaphore, #tpu.memory_space<semaphore_mem>>) src(%dma_wait3A_222 : memref<32768x256xf32, #tpu.memory_space<hbm>>) dst(%dma_wait3A_217 : memref<32x256xf32, #tpu.memory_space<vmem>>)
    %add3A_223 = arith.constant 64 : i32
    %add3A_224 = arith.addi %mul3A_34, %add3A_223 : i32
    %dma_start3A_225 = arith.constant 64 : i32
    %dma_start3A_226 = arith.constant 0 : i32
    %dma_start3A_227 = tpu.memref_slice %arg7[%dma_start3A_225, %dma_start3A_226] : memref<128x256xf32, #tpu.memory_space<vmem>> -> memref<32x256xf32, #tpu.memory_space<vmem>>
    %dma_start3A_228 = arith.constant 0 : i32
    %dma_start3A_229 = tpu.memref_slice %arg4[%add3A_224, %dma_start3A_228] : memref<4096x256xf32, #tpu.memory_space<hbm>> -> memref<32x256xf32, #tpu.memory_space<hbm>>
    %dma_start3A_230 = arith.constant 0 : i32
    %dma_start3A_231 = tpu.memref_slice %arg4[%add3A_224, %dma_start3A_230] : memref<4096x256xf32, #tpu.memory_space<hbm>> -> memref<32x256xf32, #tpu.memory_space<hbm>>
    %dma_start3A_232 = arith.constant 64 : i32
    %dma_start3A_233 = arith.constant 0 : i32
    %dma_start3A_234 = tpu.memref_slice %arg7[%dma_start3A_232, %dma_start3A_233] : memref<128x256xf32, #tpu.memory_space<vmem>> -> memref<32x256xf32, #tpu.memory_space<vmem>>
    tpu.enqueue_dma source(%dma_start3A_234 : memref<32x256xf32, #tpu.memory_space<vmem>>) target(%dma_start3A_231 : memref<32x256xf32, #tpu.memory_space<hbm>>) target_semaphore(%arg14 : memref<!tpu.dma_semaphore, #tpu.memory_space<semaphore_mem>>)
    %dma_wait3A_235 = arith.constant 96 : i32
    %dma_wait3A_236 = arith.constant 0 : i32
    %dma_wait3A_237 = tpu.memref_slice %arg7[%dma_wait3A_235, %dma_wait3A_236] : memref<128x256xf32, #tpu.memory_space<vmem>> -> memref<32x256xf32, #tpu.memory_space<vmem>>
    %dma_wait3A_238 = arith.constant 96 : i32
    %dma_wait3A_239 = tpu.memref_slice %arg6[%dma_wait3A_238] : memref<128xi32, #tpu.memory_space<vmem>> -> memref<32xi32, #tpu.memory_space<vmem>>
    %dma_wait3A_240 = arith.constant 0 : i32
    %dma_wait3A_241 = arith.constant 0 : i32
    %dma_wait3A_242 = tpu.memref_slice %arg3[%dma_wait3A_240, %dma_wait3A_241] : memref<32768x256xf32, #tpu.memory_space<hbm>> -> memref<32768x256xf32, #tpu.memory_space<hbm>>
    tpu.wait_indirect_dma semaphore(%arg11 : memref<!tpu.dma_semaphore, #tpu.memory_space<semaphore_mem>>) src(%dma_wait3A_242 : memref<32768x256xf32, #tpu.memory_space<hbm>>) dst(%dma_wait3A_237 : memref<32x256xf32, #tpu.memory_space<vmem>>)
    %add3A_243 = arith.constant 96 : i32
    %add3A_244 = arith.addi %mul3A_34, %add3A_243 : i32
    %dma_start3A_245 = arith.constant 96 : i32
    %dma_start3A_246 = arith.constant 0 : i32
    %dma_start3A_247 = tpu.memref_slice %arg7[%dma_start3A_245, %dma_start3A_246] : memref<128x256xf32, #tpu.memory_space<vmem>> -> memref<32x256xf32, #tpu.memory_space<vmem>>
    %dma_start3A_248 = arith.constant 0 : i32
    %dma_start3A_249 = tpu.memref_slice %arg4[%add3A_244, %dma_start3A_248] : memref<4096x256xf32, #tpu.memory_space<hbm>> -> memref<32x256xf32, #tpu.memory_space<hbm>>
    %dma_start3A_250 = arith.constant 0 : i32
    %dma_start3A_251 = tpu.memref_slice %arg4[%add3A_244, %dma_start3A_250] : memref<4096x256xf32, #tpu.memory_space<hbm>> -> memref<32x256xf32, #tpu.memory_space<hbm>>
    %dma_start3A_252 = arith.constant 96 : i32
    %dma_start3A_253 = arith.constant 0 : i32
    %dma_start3A_254 = tpu.memref_slice %arg7[%dma_start3A_252, %dma_start3A_253] : memref<128x256xf32, #tpu.memory_space<vmem>> -> memref<32x256xf32, #tpu.memory_space<vmem>>
    tpu.enqueue_dma source(%dma_start3A_254 : memref<32x256xf32, #tpu.memory_space<vmem>>) target(%dma_start3A_251 : memref<32x256xf32, #tpu.memory_space<hbm>>) target_semaphore(%arg15 : memref<!tpu.dma_semaphore, #tpu.memory_space<semaphore_mem>>)
    %dma_wait3A_255 = arith.constant 0 : i32
    %dma_wait3A_256 = arith.constant 0 : i32
    %dma_wait3A_257 = tpu.memref_slice %arg7[%dma_wait3A_255, %dma_wait3A_256] : memref<128x256xf32, #tpu.memory_space<vmem>> -> memref<32x256xf32, #tpu.memory_space<vmem>>
    %dma_wait3A_258 = arith.constant 0 : i32
    %dma_wait3A_259 = tpu.memref_slice %arg4[%add3A_184, %dma_wait3A_258] : memref<4096x256xf32, #tpu.memory_space<hbm>> -> memref<32x256xf32, #tpu.memory_space<hbm>>
    %dma_wait3A_260 = arith.constant 0 : i32
    %dma_wait3A_261 = tpu.memref_slice %arg4[%add3A_184, %dma_wait3A_260] : memref<4096x256xf32, #tpu.memory_space<hbm>> -> memref<32x256xf32, #tpu.memory_space<hbm>>
    %dma_wait3A_262 = arith.constant 0 : i32
    %dma_wait3A_263 = arith.constant 0 : i32
    %dma_wait3A_264 = tpu.memref_slice %arg7[%dma_wait3A_262, %dma_wait3A_263] : memref<128x256xf32, #tpu.memory_space<vmem>> -> memref<32x256xf32, #tpu.memory_space<vmem>>
    tpu.wait_dma2 semaphore(%arg12 : memref<!tpu.dma_semaphore, #tpu.memory_space<semaphore_mem>>) src(%dma_wait3A_264 : memref<32x256xf32, #tpu.memory_space<vmem>>) dst(%dma_wait3A_261 : memref<32x256xf32, #tpu.memory_space<hbm>>)
    %dma_wait3A_265 = arith.constant 32 : i32
    %dma_wait3A_266 = arith.constant 0 : i32
    %dma_wait3A_267 = tpu.memref_slice %arg7[%dma_wait3A_265, %dma_wait3A_266] : memref<128x256xf32, #tpu.memory_space<vmem>> -> memref<32x256xf32, #tpu.memory_space<vmem>>
    %dma_wait3A_268 = arith.constant 0 : i32
    %dma_wait3A_269 = tpu.memref_slice %arg4[%add3A_204, %dma_wait3A_268] : memref<4096x256xf32, #tpu.memory_space<hbm>> -> memref<32x256xf32, #tpu.memory_space<hbm>>
    %dma_wait3A_270 = arith.constant 0 : i32
    %dma_wait3A_271 = tpu.memref_slice %arg4[%add3A_204, %dma_wait3A_270] : memref<4096x256xf32, #tpu.memory_space<hbm>> -> memref<32x256xf32, #tpu.memory_space<hbm>>
    %dma_wait3A_272 = arith.constant 32 : i32
    %dma_wait3A_273 = arith.constant 0 : i32
    %dma_wait3A_274 = tpu.memref_slice %arg7[%dma_wait3A_272, %dma_wait3A_273] : memref<128x256xf32, #tpu.memory_space<vmem>> -> memref<32x256xf32, #tpu.memory_space<vmem>>
    tpu.wait_dma2 semaphore(%arg13 : memref<!tpu.dma_semaphore, #tpu.memory_space<semaphore_mem>>) src(%dma_wait3A_274 : memref<32x256xf32, #tpu.memory_space<vmem>>) dst(%dma_wait3A_271 : memref<32x256xf32, #tpu.memory_space<hbm>>)
    %dma_wait3A_275 = arith.constant 64 : i32
    %dma_wait3A_276 = arith.constant 0 : i32
    %dma_wait3A_277 = tpu.memref_slice %arg7[%dma_wait3A_275, %dma_wait3A_276] : memref<128x256xf32, #tpu.memory_space<vmem>> -> memref<32x256xf32, #tpu.memory_space<vmem>>
    %dma_wait3A_278 = arith.constant 0 : i32
    %dma_wait3A_279 = tpu.memref_slice %arg4[%add3A_224, %dma_wait3A_278] : memref<4096x256xf32, #tpu.memory_space<hbm>> -> memref<32x256xf32, #tpu.memory_space<hbm>>
    %dma_wait3A_280 = arith.constant 0 : i32
    %dma_wait3A_281 = tpu.memref_slice %arg4[%add3A_224, %dma_wait3A_280] : memref<4096x256xf32, #tpu.memory_space<hbm>> -> memref<32x256xf32, #tpu.memory_space<hbm>>
    %dma_wait3A_282 = arith.constant 64 : i32
    %dma_wait3A_283 = arith.constant 0 : i32
    %dma_wait3A_284 = tpu.memref_slice %arg7[%dma_wait3A_282, %dma_wait3A_283] : memref<128x256xf32, #tpu.memory_space<vmem>> -> memref<32x256xf32, #tpu.memory_space<vmem>>
    tpu.wait_dma2 semaphore(%arg14 : memref<!tpu.dma_semaphore, #tpu.memory_space<semaphore_mem>>) src(%dma_wait3A_284 : memref<32x256xf32, #tpu.memory_space<vmem>>) dst(%dma_wait3A_281 : memref<32x256xf32, #tpu.memory_space<hbm>>)
    %dma_wait3A_285 = arith.constant 96 : i32
    %dma_wait3A_286 = arith.constant 0 : i32
    %dma_wait3A_287 = tpu.memref_slice %arg7[%dma_wait3A_285, %dma_wait3A_286] : memref<128x256xf32, #tpu.memory_space<vmem>> -> memref<32x256xf32, #tpu.memory_space<vmem>>
    %dma_wait3A_288 = arith.constant 0 : i32
    %dma_wait3A_289 = tpu.memref_slice %arg4[%add3A_244, %dma_wait3A_288] : memref<4096x256xf32, #tpu.memory_space<hbm>> -> memref<32x256xf32, #tpu.memory_space<hbm>>
    %dma_wait3A_290 = arith.constant 0 : i32
    %dma_wait3A_291 = tpu.memref_slice %arg4[%add3A_244, %dma_wait3A_290] : memref<4096x256xf32, #tpu.memory_space<hbm>> -> memref<32x256xf32, #tpu.memory_space<hbm>>
    %dma_wait3A_292 = arith.constant 96 : i32
    %dma_wait3A_293 = arith.constant 0 : i32
    %dma_wait3A_294 = tpu.memref_slice %arg7[%dma_wait3A_292, %dma_wait3A_293] : memref<128x256xf32, #tpu.memory_space<vmem>> -> memref<32x256xf32, #tpu.memory_space<vmem>>
    tpu.wait_dma2 semaphore(%arg15 : memref<!tpu.dma_semaphore, #tpu.memory_space<semaphore_mem>>) src(%dma_wait3A_294 : memref<32x256xf32, #tpu.memory_space<vmem>>) dst(%dma_wait3A_291 : memref<32x256xf32, #tpu.memory_space<hbm>>)
    return
  }
}

module attributes {stable_mosaic.version = 14 : i64} {
  func.func @_tc_loss_body(%arg0: i32, %arg1: memref<4x16x32x256xf32, #tpu.memory_space<vmem>>, %arg2: memref<16x256xf32, #tpu.memory_space<vmem>>, %arg3: memref<1x1xf32, #tpu.memory_space<vmem>>, %arg4: memref<16x256xf32, #tpu.memory_space<vmem>>) attributes {dimension_semantics = [#tpu.dimension_semantics<arbitrary>], iteration_bounds = array<i64: 2>, scalar_prefetch = 0 : i64, scratch_operands = 1 : i64, tpu.core_type = #tpu.core_type<tc>, window_params = [{transform_indices = @transform_0, window_bounds = array<i64: 4, 16, 32, 256>}, {pipeline_mode = #tpu.pipeline_mode<synchronous>, transform_indices = @transform_1, window_bounds = array<i64: 16, 256>}, {pipeline_mode = #tpu.pipeline_mode<synchronous>, transform_indices = @transform_2, window_bounds = array<i64: 1, 1>}]} {
    %get3A = arith.constant 0 : index
    %get3A_0 = arith.constant 0 : index
    %get3A_1 = arith.constant 0 : index
    %get3A_2 = arith.constant 0 : index
    %get3A_3 = vector.load %arg1[%get3A, %get3A_0, %get3A_1, %get3A_2] : memref<4x16x32x256xf32, #tpu.memory_space<vmem>>, vector<4x16x32x256xf32>
    %mul3A = arith.mulf %get3A_3, %get3A_3 : vector<4x16x32x256xf32>
    %reduce_sum3A = arith.constant dense<0.000000e+00> : vector<4x16x32xf32>
    %reduce_sum3A_4 = vector.multi_reduction <add>, %mul3A, %reduce_sum3A [3] : vector<4x16x32x256xf32> to vector<4x16x32xf32>
    %broadcast_in_dim3A = vector.shape_cast %reduce_sum3A_4 : vector<4x16x32xf32> to vector<4x16x32x1xf32>
    %rsqrt3A = math.rsqrt %broadcast_in_dim3A : vector<4x16x32x1xf32>
    %mul3A_5 = vector.broadcast %rsqrt3A : vector<4x16x32x1xf32> to vector<4x16x32x256xf32>
    %mul3A_6 = arith.mulf %get3A_3, %mul3A_5 : vector<4x16x32x256xf32>
    %reduce_sum3A_7 = arith.constant dense<0.000000e+00> : vector<16x256xf32>
    %reduce_sum3A_8 = vector.multi_reduction <add>, %mul3A_6, %reduce_sum3A_7 [0, 2] : vector<4x16x32x256xf32> to vector<16x256xf32>
    %eq3A = arith.constant 0 : i32
    %eq3A_9 = arith.cmpi eq, %arg0, %eq3A : i32
    %convert_element_type3A = arith.extui %eq3A_9 : i1 to i32
    %cond3A = arith.constant 0 : i32
    %cond3A_10 = arith.cmpi ne, %convert_element_type3A, %cond3A : i32
    scf.if %cond3A_10 {
      %swap3A = arith.constant 0 : index
      %swap3A_16 = arith.constant 0 : index
      %swap3A_17 = vector.load %arg4[%swap3A, %swap3A_16] : memref<16x256xf32, #tpu.memory_space<vmem>>, vector<16x256xf32>
      tpu.vector_store %arg4[%swap3A, %swap3A_16], %reduce_sum3A_8 {strides = array<i32>} : memref<16x256xf32, #tpu.memory_space<vmem>>, vector<16x256xf32>,
      %broadcast_in_dim3A_18 = arith.constant 0.000000e+00 : f32
      %broadcast_in_dim3A_19 = vector.broadcast %broadcast_in_dim3A_18 : f32 to vector<1x1xf32>
      %swap3A_20 = arith.constant 0 : index
      %swap3A_21 = arith.constant 0 : index
      %swap3A_22 = vector.load %arg3[%swap3A_20, %swap3A_21] : memref<1x1xf32, #tpu.memory_space<vmem>>, vector<1x1xf32>
      tpu.vector_store %arg3[%swap3A_20, %swap3A_21], %broadcast_in_dim3A_19 {strides = array<i32>} : memref<1x1xf32, #tpu.memory_space<vmem>>, vector<1x1xf32>,
    } else {
    }
    %eq3A_11 = arith.constant 1 : i32
    %eq3A_12 = arith.cmpi eq, %arg0, %eq3A_11 : i32
    %convert_element_type3A_13 = arith.extui %eq3A_12 : i1 to i32
    %cond3A_14 = arith.constant 0 : i32
    %cond3A_15 = arith.cmpi ne, %convert_element_type3A_13, %cond3A_14 : i32
    scf.if %cond3A_15 {
      %get3A_16 = arith.constant 0 : index
      %get3A_17 = arith.constant 0 : index
      %get3A_18 = vector.load %arg4[%get3A_16, %get3A_17] : memref<16x256xf32, #tpu.memory_space<vmem>>, vector<16x256xf32>
      %add3A = arith.addf %get3A_18, %reduce_sum3A_8 : vector<16x256xf32>
      %mul3A_19 = arith.mulf %add3A, %add3A : vector<16x256xf32>
      %reduce_sum3A_20 = arith.constant dense<0.000000e+00> : vector<16xf32>
      %reduce_sum3A_21 = vector.multi_reduction <add>, %mul3A_19, %reduce_sum3A_20 [1] : vector<16x256xf32> to vector<16xf32>
      %broadcast_in_dim3A_22 = vector.shape_cast %reduce_sum3A_21 : vector<16xf32> to vector<16x1xf32>
      %rsqrt3A_23 = math.rsqrt %broadcast_in_dim3A_22 : vector<16x1xf32>
      %mul3A_24 = vector.broadcast %rsqrt3A_23 : vector<16x1xf32> to vector<16x256xf32>
      %mul3A_25 = arith.mulf %add3A, %mul3A_24 : vector<16x256xf32>
      %get3A_26 = arith.constant 0 : index
      %get3A_27 = arith.constant 0 : index
      %get3A_28 = vector.load %arg2[%get3A_26, %get3A_27] : memref<16x256xf32, #tpu.memory_space<vmem>>, vector<16x256xf32>
      %mul3A_29 = arith.mulf %get3A_28, %get3A_28 : vector<16x256xf32>
      %reduce_sum3A_30 = arith.constant dense<0.000000e+00> : vector<16xf32>
      %reduce_sum3A_31 = vector.multi_reduction <add>, %mul3A_29, %reduce_sum3A_30 [1] : vector<16x256xf32> to vector<16xf32>
      %broadcast_in_dim3A_32 = vector.shape_cast %reduce_sum3A_31 : vector<16xf32> to vector<16x1xf32>
      %rsqrt3A_33 = math.rsqrt %broadcast_in_dim3A_32 : vector<16x1xf32>
      %mul3A_34 = vector.broadcast %rsqrt3A_33 : vector<16x1xf32> to vector<16x256xf32>
      %mul3A_35 = arith.mulf %get3A_28, %mul3A_34 : vector<16x256xf32>
      %transpose3A = tpu.transpose %mul3A_35, [1, 0] : vector<16x256xf32> -> vector<256x16xf32>
      %dot_general3A = arith.constant dense<0.000000e+00> : vector<16x16xf32>
      %dot_general3A_36 = tpu.matmul %mul3A_25, %transpose3A, %dot_general3A {dimension_numbers = #tpu.dot_dimension_numbers<[1], [0], [0], [1], [0, 0, 1, 1], [], []>, transpose_lhs_hint = false} : vector<16x256xf32>, vector<256x16xf32>, vector<16x16xf32> -> vector<16x16xf32>
      %div3A = arith.constant 2.000000e-01 : f32
      %div3A_37 = vector.broadcast %div3A : f32 to vector<16x16xf32>
      %div3A_38 = arith.divf %dot_general3A_36, %div3A_37 : vector<16x16xf32>
      %exp3A = math.exp %div3A_38 : vector<16x16xf32>
      %reduce_sum3A_39 = arith.constant dense<0.000000e+00> : vector<16xf32>
      %reduce_sum3A_40 = vector.multi_reduction <add>, %exp3A, %reduce_sum3A_39 [1] : vector<16x16xf32> to vector<16xf32>
      %iota3A = tpu.iota {dimensions = array<i32: 0>} : vector<16x16xi32>
      %iota3A_41 = tpu.iota {dimensions = array<i32: 1>} : vector<16x16xi32>
      %eq3A_42 = arith.cmpi eq, %iota3A, %iota3A_41 : vector<16x16xi32>
      %jit3A = arith.constant 0.000000e+00 : f32
      %broadcast_in_dim3A_43 = vector.broadcast %jit3A : f32 to vector<16x16xf32>
      %select_n3A = arith.select %eq3A_42, %div3A_38, %broadcast_in_dim3A_43 : vector<16x16xi1>, vector<16x16xf32>
      %reduce_sum3A_44 = arith.constant dense<0.000000e+00> : vector<16xf32>
      %reduce_sum3A_45 = vector.multi_reduction <add>, %select_n3A, %reduce_sum3A_44 [1] : vector<16x16xf32> to vector<16xf32>
      %log3A = math.log %reduce_sum3A_40 : vector<16xf32>
      %sub3A = arith.subf %log3A, %reduce_sum3A_45 : vector<16xf32>
      %reduce_sum3A_46 = vector.shape_cast %sub3A : vector<16xf32> to vector<1x16xf32>
      %reduce_sum3A_47 = arith.constant dense<0.000000e+00> : vector<1xf32>
      %reduce_sum3A_48 = vector.multi_reduction <add>, %reduce_sum3A_46, %reduce_sum3A_47 [1] : vector<1x16xf32> to vector<1xf32>
      %reduce_sum3A_49 = vector.shape_cast %reduce_sum3A_48 : vector<1xf32> to vector<1x1xf32>
      %reduce_sum3A_50 = vector.extract %reduce_sum3A_49[0, 0] : f32 from vector<1x1xf32>
      %mul3A_51 = arith.constant 6.250000e-03 : f32
      %mul3A_52 = arith.mulf %mul3A_51, %reduce_sum3A_50 : f32
      %reshape3A = vector.broadcast %mul3A_52 : f32 to vector<1x1xf32>
      %swap3A = arith.constant 0 : index
      %swap3A_53 = arith.constant 0 : index
      %swap3A_54 = vector.load %arg3[%swap3A, %swap3A_53] : memref<1x1xf32, #tpu.memory_space<vmem>>, vector<1x1xf32>
      tpu.vector_store %arg3[%swap3A, %swap3A_53], %reshape3A {strides = array<i32>} : memref<1x1xf32, #tpu.memory_space<vmem>>, vector<1x1xf32>,
    } else {
    }
    return
  }
  func.func @transform_0(%arg0: i32) -> (i32, i32, i32, i32) {
    %c0_i32 = arith.constant 0 : i32
    %c0_i32_0 = arith.constant 0 : i32
    %c0_i32_1 = arith.constant 0 : i32
    %c0_i32_2 = arith.constant 0 : i32
    return %arg0, %c0_i32, %c0_i32_0, %c0_i32_1 : i32, i32, i32, i32
  }
  func.func @transform_1(%arg0: i32) -> (i32, i32) {
    %c0_i32 = arith.constant 0 : i32
    %c0_i32_0 = arith.constant 0 : i32
    %c0_i32_1 = arith.constant 0 : i32
    return %c0_i32, %c0_i32_0 : i32, i32
  }
  func.func @transform_2(%arg0: i32) -> (i32, i32) {
    %c0_i32 = arith.constant 0 : i32
    %c0_i32_0 = arith.constant 0 : i32
    %c0_i32_1 = arith.constant 0 : i32
    return %c0_i32, %c0_i32_0 : i32, i32
  }
}

</mosaic_0001>

<sc_bundles>
// kernel: kernel.4.cloned.1.call-start
scs
__scs_entry_jumppad:
0x0: {  	(pc) =	sbr.rel $0x88, $3  }
0x1: {  	(tag) =	ssettag $0x0;
	lr =	simm.s32 $0x1  }
0x2: {  	[smem:$0x3F9E] =	sst lr;
	_ =	strace $0xD0000000  }
0x3: {  	_ = 	snop  }
0x4: {  	_ = 	snop  }
0x5: {  	_ = 	snop  }
0x6: {  	_ = 	snop  }
0x7: {  	_ = 	snop  }
__scs_overlays_trampoline_lowered:
0x8: {  	[smem:$0x3FAD] =	sst s0  }
0x9: {  	[smem:$0x3FAE] =	sst s1  }
0xa: {  	[smem:$0x3FAF] =	sst s2  }
0xb: {  	[smem:$0x3FB0] =	sst s3  }
0xc: {  	[smem:$0x3FB1] =	sst s4  }
0xd: {  	[smem:$0x3FB2] =	sst s5  }
0xe: {  	[smem:$0x3FB3] =	sst s6  }
0xf: {  	[smem:$0x3FB4] =	sst s7  }
0x10: {  	[smem:$0x3FB5] =	sst s8  }
0x11: {  	[smem:$0x3FB6] =	sst s9;
	s0 =	simm.s32 @!p0 $0x0  }
0x12: {  	s1 =	sld [smem:$0x3F9C];
	s0 =	simm.s32 @p0 $0x1  }
0x13: {  	[smem:$0x3FB7] =	sst s0;
	s0 =	simm.s32 @!p1 $0x0  }
0x14: {  	s2 =	sld [smem:$0x3F9B];
	s0 =	simm.s32 @p1 $0x1  }
0x15: {  	[smem:$0x3FB8] =	sst s0;
	s0 =	simm.s32 @!p2 $0x0  }
0x16: {  	s3 =	sld [smem:$0x3FDB];
	s0 =	simm.s32 @p2 $0x1  }
0x17: {  	s4 =	simm.s32 $0x1BF5;
	[smem:$0x3FBA] =	sst s0  }
0x18: {  	s0 =	sld [smem:$0x3F9D];
	_ =	swait.ge [sflag:s4], $0x0  }
0x19: {  	s7 =	sld [smem:$0x3F9E]  }
0x1a: {  	s8 =	sadd.s32 $0xFFFFE003, lr  }
0x1b: {  	s9 =	sadd.s32 $0xFFFFFEF7, lr;
	s5 =	simm.s32 $0xFFFFFFFF;
	p2 =	slt.u32 s8, $0xFFFFF086  }
0x1c: {  	p1 =	slt.u32 s9, $0xF7A;
	s5 =	simm.s32 @!p2 $0x0  }
0x1d: {  	s5 =	simm.s32 @p1 $0x1;
	p0 =	seq.s32 s7, s2  }
0x1e: {  	s7 =	smul.u32 @!p0 $0xF7A, s2;
	p2 =	seq.s32 @!p0 s5, $0x0  }
0x1f: {  	s9 =	smul.u32 $0xF7A, s1;
	s8 =	simm.s32 @!p0 $0x1BF5;
	p2 =	por !p2, p0  }
0x20: {  	[sflag:s8] =	ssyncset.s32 @!p0 $0xFFFFF086;
	s6 =	sadd.s32 @!p0 s3, s7;
	s7 =	simm.s32 @!p0 $0x108  }
0x21: {  	s3 =	sadd.s32 s3, s9;
	s6 =	sadd.s32 @!p0 $0x88, s6;
	s7 =	simm.s32 @p2 $0x1082  }
0x22: {  	[simem:s7], [sflag:s8] =	dma.local @!p0 [hbm:s6], $0xF7A  }
0x23: {  	s9 =	sor.u32 $0xD0000000, s2;
	s6 =	simm.s32 $0x108;
	_ =	swait.ge @!p0 [sflag:s8], $0x0  }
0x24: {  	s3 =	sadd.s32 $0x88, s3;
	s6 =	simm.s32 @!p1 $0x1082;
	[sflag:s4] =	ssyncset.s32 $0xFFFFF086  }
0x25: {  	[simem:s6], [sflag:s4] =	dma.local [hbm:s3], $0xF7A  }
0x26: {  	[smem:$0x3F9E] =	sst s1;
	(tag) =	ssettag s2;
	_ =	strace s9  }
0x27: {  	s1 =	sld [smem:$0x3FAE]  }
0x28: {  	s2 =	sld [smem:$0x3FAF]  }
0x29: {  	s4 =	sld [smem:$0x3FB1]  }
0x2a: {  	p0 =	seq.s32 s5, $0x0;
	s5 =	sld [smem:$0x3FB2]  }
0x2b: {  	s6 =	sld [smem:$0x3FB3]  }
0x2c: {  	s7 =	sld [smem:$0x3FB4]  }
0x2d: {  	s3 =	simm.s32 $0x108;
	s8 =	sld [smem:$0x3FB5]  }
0x2e: {  	s3 =	simm.s32 @!p0 $0x1082;
	s9 =	sld [smem:$0x3FB6]  }
0x2f: {  	lr =	sadd.s32 s0, s3;
	s0 =	sld [smem:$0x3FAD]  }
0x30: {  	s3 =	sld [smem:$0x3FB0]  }
0x31: {  	[smem:$0x3FB9] =	sst s10  }
0x32: {  	s10 =	sld [smem:$0x3FB7];
	_ =	sdelay $0x3  }
0x33: {  	p0 =	seq.s32 s10, $0x1;
	s10 =	sld [smem:$0x3FB9];
	_ =	sdelay $0x3  }
0x34: {  	[smem:$0x3FB9] =	sst s10  }
0x35: {  	s10 =	sld [smem:$0x3FB8];
	_ =	sdelay $0x3  }
0x36: {  	p1 =	seq.s32 s10, $0x1;
	s10 =	sld [smem:$0x3FB9];
	_ =	sdelay $0x3  }
0x37: {  	[smem:$0x3FB9] =	sst s10  }
0x38: {  	s10 =	sld [smem:$0x3FBA]  }
0x39: {  	_ = 	snop;
	(pc) =	sbr.ind lr, $3  }
0x3a: {  	_ = 	snop  }
0x3b: {  	_ = 	snop  }
0x3c: {  	p2 =	seq.s32 s10, $0x1;
	s10 =	sld [smem:$0x3FB9]  }
0x3d: {  	_ =	shalt  }
0x3e: {  	_ =	shalt  }
0x3f: {  	_ =	shalt  }
0x40: {  	_ =	shalt  }
0x41: {  	_ =	shalt  }
0x42: {  	_ =	shalt  }
0x43: {  	_ =	shalt  }
0x44: {  	_ =	shalt  }
0x45: {  	_ =	shalt  }
0x46: {  	_ =	shalt  }
0x47: {  	_ =	shalt  }
0x48: {  	_ =	shalt  }
0x49: {  	_ =	shalt  }
0x4a: {  	_ =	shalt  }
0x4b: {  	_ =	shalt  }
0x4c: {  	_ =	shalt  }
0x4d: {  	_ =	shalt  }
0x4e: {  	_ =	shalt  }
0x4f: {  	_ =	shalt  }
0x50: {  	_ =	shalt  }
0x51: {  	_ =	shalt  }
0x52: {  	_ =	shalt  }
0x53: {  	_ =	shalt  }
0x54: {  	_ =	shalt  }
0x55: {  	_ =	shalt  }
0x56: {  	_ =	shalt  }
0x57: {  	_ =	shalt  }
0x58: {  	_ =	shalt  }
0x59: {  	_ =	shalt  }
0x5a: {  	_ =	shalt  }
0x5b: {  	_ =	shalt  }
0x5c: {  	_ =	shalt  }
0x5d: {  	_ =	shalt  }
0x5e: {  	_ =	shalt  }
0x5f: {  	_ =	shalt  }
0x60: {  	_ =	shalt  }
0x61: {  	_ =	shalt  }
0x62: {  	_ =	shalt  }
0x63: {  	_ =	shalt  }
0x64: {  	_ =	shalt  }
0x65: {  	_ =	shalt  }
0x66: {  	_ =	shalt  }
0x67: {  	_ =	shalt  }
0x68: {  	_ =	shalt  }
0x69: {  	_ =	shalt  }
0x6a: {  	_ =	shalt  }
0x6b: {  	_ =	shalt  }
0x6c: {  	_ =	shalt  }
0x6d: {  	_ =	shalt  }
0x6e: {  	_ =	shalt  }
0x6f: {  	_ =	shalt  }
0x70: {  	_ =	shalt  }
0x71: {  	_ =	shalt  }
0x72: {  	_ =	shalt  }
0x73: {  	_ =	shalt  }
0x74: {  	_ =	shalt  }
0x75: {  	_ =	shalt  }
0x76: {  	_ =	shalt  }
0x77: {  	_ =	shalt  }
0x78: {  	_ =	shalt  }
0x79: {  	_ =	shalt  }
0x7a: {  	_ =	shalt  }
0x7b: {  	_ =	shalt  }
0x7c: {  	_ =	shalt  }
0x7d: {  	_ =	shalt  }
0x7e: {  	_ =	shalt  }
0x7f: {  	_ =	shalt  }
0x80: {  	_ =	shalt  }
0x81: {  	_ =	shalt  }
0x82: {  	_ =	shalt  }
0x83: {  	_ =	shalt  }
0x84: {  	_ =	shalt  }
0x85: {  	_ =	shalt  }
0x86: {  	_ =	shalt  }
0x87: {  	_ =	shalt  }
.Lfunc_end0:
.L_simem_size_0:
called_computation_lowered:
.L_overlay_start_0:
0x88: {  	s2 =	sld [smem:$0x3FD9]  }
0x89: {  	s3 =	sld [smem:$0x3FFE];
	_ =	sdelay $0x1  }
0x8a: {  	s1 =	srdreg.scid  }
0x8b: {  	s0 =	sand.u32 $0x1, s1  }
0x8c: {  	s17 =	sshll.u32 s0, $0xA;
	s2 =	sadd.s32 s3, s2  }
0x8d: {  	s2 =	sadd.s32 s2, s17  }
0x8e: {  	[smem:$0x3FC5] =	sst s2  }
0x8f: {  	_ = 	snop  }
0x90: {  	s2 =	sld [smem:$0x3FC9]  }
0x91: {  	s18 =	sld [smem:$0x3FC8];
	(tm) =	ssettm $0x1  }
0x92: {  	s4 =	sld [smem:$0x3FFB];
	_ =	sdelay $0x3  }
0x93: {  	_ =	strace s4  }
0x94: {  	s4 =	sld [smem:$0x3FFC];
	_ =	sdelay $0x3  }
0x95: {  	_ =	strace s4  }
0x96: {  	s4 =	sld [smem:$0x3FFD];
	_ =	sdelay $0x3  }
0x97: {  	_ =	strace s4  }
0x98: {  	_ =	strace $0x8FFFFFFF  }
0x99: {  	s19 =	sld [smem:$0x3FDB];
	_ =	sdelay $0x1  }
0x9a: {  	s5 =	simm.s32 $_scs_section_size  }
0x9b: {  	s6 =	simm.s32 $_size__tile_overlayer_lowered;
	s7 =	simm.s32 $_tile_overlayer_lowered  }
0x9c: {  	s22 =	simm.s32 $0x1BFF;
	s21 =	sshll.u32 s7, $0x1;
	s4 =	sadd.s32 s5, s19  }
0x9d: {  	s8 =	simm.s32 $0x0;
	s20 =	sshll.u32 s6, $0x1;
	s6 =	sadd.s32 s21, s4  }
0x9e: {  	[timem:s8], [sflag:s22] =	dma.local [hbm:s6], s20  }
0x9f: {  	_ =	swait.ge [sflag:s22], s20  }
0xa0: {  	s5 =	ssub.s32 $0x0, s20;
	[sflag:s22] =	ssyncset.done $0x0  }
0xa1: {  	[sflag:s22] =	ssyncadd.s32 s5;
	_ =	sdelay $0x1  }
0xa2: {  	s23 =	simm.s32 $0x1B8B  }
0xa3: {  	_ =	swait.ge [sflag:s23], $0x1  }
0xa4: {  	[sflag:s23] =	ssyncset.done $0x0  }
0xa5: {  	s25 =	simm.s32 $0x1B8E;
	s24 =	sld [smem:$0x3FFE];
	[sflag:s23] =	ssyncadd.s32 $0xFFFFFFFF  }
0xa6: {  	s26 =	simm.s32 $execute0_lowered;
	[smem:$0x3FD2] =	sst s25  }
0xa7: {  	s6 =	sshll.u32 s26, $0x1;
	_ =	strace $0x80000046;
	[dreg:$0x1] =	wrdreg $0xFFFFFFFF  }
0xa8: {  	s28 =	simm.s32 $_size_execute0_lowered;
	s4 =	sadd.s32 s4, s6;
	[dreg:$0x0] =	wrdreg $0x0  }
0xa9: {  	s6 =	sshll.u32 s28, $0x1;
	[dreg:$0x2] =	wrdreg s4  }
0xaa: {  	[dreg:$0x3] =	wrdreg s6  }
0xab: {  	[dreg:$0x4] =	wrdreg $0xC0  }
0xac: {  	_ =	task [dreg:s8], $0x5FFFF  }
0xad: {  	[dreg:$0x1] =	wrdreg $0xFFFFFFFF  }
0xae: {  	[dreg:$0x0] =	wrdreg $0x60  }
0xaf: {  	[dreg:$0x2] =	wrdreg s2  }
0xb0: {  	[dreg:$0x3] =	wrdreg s18  }
0xb1: {  	[dreg:$0x4] =	wrdreg s24  }
0xb2: {  	[dreg:$0x5] =	wrdreg $0x9  }
0xb3: {  	_ =	task.clear_ibuf [dreg:s8], $0x6FFFF;
	_ =	strace $0x90000046  }
0xb4: {  	s29 =	simm.s32 $0x9;
	_ =	strace $0x80000048  }
0xb5: {  	_ =	swait.ge [sflag:s29], $0x1  }
0xb6: {  	[sflag:s29] =	ssyncadd.s32 $0xFFFFFFFF  }
0xb7: {  	_ =	strace $0x90000048  }
0xb8: {  	_ =	sfence  }
0xb9: {  	s30 =	sld [smem:$0x0];
	_ =	sdelay $0x2  }
0xba: {  	s31 =	sshll.u32 s1, $0xD;
	s1 =	sshrl.u32 s1, $0x2  }
0xbb: {  	s3 =	sand.u32 $0x4000, s31;
	s1 =	sadd.s32 s1, s30  }
0xbc: {  	s0 =	sor.u32 s3, s0;
	s1 =	sshll.u32 s1, $0x11  }
0xbd: {  	s0 =	sor.u32 s1, s0  }
0xbe: {  	s0 =	sadd.s32 $0x8F2B, s0  }
0xbf: {  	[sflag:s0] =	ssyncadd.remote.s32 $0x1  }
0xc0: {  	_ =	sfence.sel $0xFFFF  }
0xc1: {  	[dreg:$0x0] =	wrdreg $0xFFFFFFFF;
	(pc) =	sbr.abs _section_cstart, $3  }
0xc2: {  	[dreg:$0x1] =	wrdreg $0xFFFFFFFF  }
0xc3: {  	_ =	task.clear_ibuf [dreg:s8], $0x2FFFF;
	_ =	strace $0x9FFFFFFF  }
0xc4: {  	(tm) =	ssettm $0x7FFFFFFF  }
0xc5: {  	_ =	shalt  }
tec
execute0_lowered:
.L_overlay_start_1:
0x0: {  	(tag) =	ssettag $0x1  }
0x1: {  	s0 =	rddreg [dreg:$0x0]  }
0x2: {  	s2 =	rddreg [dreg:$0x1]  }
0x3: {  	s4 =	rddreg [dreg:$0x2];
	s3 =	srdreg.scid  }
0x4: {  	s1 =	stileid.u32;
	s9 =	simm.s32 $0xA80;
	s10 =	simm.s32 $0x1280  }
0x5: {  	s11 =	simm.s32 $0x1A80;
	s12 =	simm.s32 $0x2280;
	s13 =	simm.s32 $0x2A80  }
0x6: {  	s14 =	simm.s32 $0x3280;
	s15 =	simm.s32 $0x3A80;
	s16 =	simm.s32 $0x4280  }
0x7: {  	s17 =	simm.s32 $0x4A80;
	s18 =	simm.s32 $0x5280;
	s19 =	simm.s32 $0x5A80  }
0x8: {  	s20 =	simm.s32 $0x6280;
	s21 =	simm.s32 $0x6A80;
	s28 =	simm.s32 $0x4  }
0x9: {  	s29 =	simm.s32 $0x5;
	s30 =	simm.s32 $0x6;
	s31 =	simm.s32 $0x7  }
0xa: {  	s5 =	sand.u32 $0x1, s3;
	s6 =	sshll.u32 s1, $0x1;
	s3 =	simm.s32 $0x0  }
0xb: {  	s26 =	sshrl.u32 s1, $0x1;
	s6 =	sor.u32 s5, s6;
	[smem:$0x7FF] =	sst s3  }
0xc: {  	s7 =	sshll.u32 s26, $0x8;
	s22 =	ssub.s32 $0x2, s5;
	v0 =	vmov s26;
	s26 =	simm.s32 $0x3  }
0xd: {  	s8 =	sshll.u32 s6, $0x6;
	s6 =	sshll.u32 s6, $0xC;
	s0 =	sadd.s32 s0, s7  }
0xe: {  	_ =	strace $0x80000047;
	s5 =	sshrl.u32 s22, $0x1;
	s7 =	simm.s32 $0x9  }
0xf: {  	s8 =	sand.u32 $0xC0, s8;
	s6 =	sadd.s32 s6, s4;
	s25 =	ssub.s32 s22, s5  }
0x10: {  	s22 =	simm.s32 $0x7280;
	s0 =	sadd.s32 s8, s0;
	s23 =	sadd.s32 $0x800, s6  }
0x11: {  	s24 =	sadd.s32 $0xC00, s6;
	s4 =	sadd.s32 $0x1000, s6;
	[dreg:$0x4] =	wrdreg s0  }
0x12: {  	v3 =	vlaneseq.u32;
	s5 =	sadd.s32 $0x1400, s6;
	s6 =	smax.u32 s25, $0x1;
	[dreg:$0x5] =	wrdreg s23  }
0x13: {  	vm0 =	vmmov $0xffff;
	v2 =	vshrl.u32 v3, $0x3;
	s8 =	simm.s32 $0x280;
	s25 =	simm.s32 $0x2;
	[dreg:$0x6] =	wrdreg s24  }
0x14: {  	v1 =	vand.u32 $0x7, v3;
	v3 =	vor.u32 $0x8, v3;
	v2 =	vmul.u32 $0x8, v2;
	s23 =	simm.s32 $0x7A80;
	s24 =	simm.s32 $0x1;
	s0 =	simm.s32 $0x8  }
.LBB2_1:
0x15: {  	s1 =	rddreg [dreg:$0x4]  }
0x16: {  	[tilespmem:s3], [sflag:$0x9] =	stream.linear.gather [hbm4b:s1+s3], $0x200, $0x38;
	[tilespmem:$0x8280] =	vst v63  }
0x17: {  	_ =	swait.ge [sflag:s7], $0x200  }
0x18: {  	[sflag:s7] =	ssyncset.done $0x0  }
0x19: {  	[sflag:s7] =	ssyncadd.s32 $0xFFFFFE00  }
0x1a: {  	v4 =	vld [tilespmem:$0x0]  }
0x1b: {  	v5 =	vld [tilespmem:$0x10]  }
0x1c: {  	v6 =	vld [tilespmem:$0x80]  }
0x1d: {  	v8 =	vld [tilespmem:$0x100]  }
0x1e: {  	v7 =	vld [tilespmem:$0x90];
	_ =	sdelay $0x1  }
0x1f: {  	v10 =	vld [tilespmem:$0x110];
	v9 =	vshll.u32 v4, $0x3;
	v5 =	vshll.u32 v5, $0x3  }
0x20: {  	v11 =	vld [tilespmem:$0x180];
	v6 =	vshll.u32 v6, $0x3;
	v4 =	vshll.u32 v4, $0x4;
	v9 =	vor.u32 v0, v9  }
0x21: {  	v57 =	vld [tilespmem:$0x190];
	v58 =	vshll.u32 v8, $0x3;
	v5 =	vor.u32 v0, v5;
	v4 =	vor.u32 v0, v4;
	[tilespmem:$0x200] =	vst v9  }
0x22: {  	v6 =	vor.u32 v0, v6;
	[tilespmem:$0x210] =	vst v5;
	v5 =	vshll.u32 v7, $0x3;
	v59 =	vperm.xlane v4, v1  }
0x23: {  	v60 =	vor.u32 v0, v58;
	[tilespmem:$0x220] =	vst v6;
	v5 =	vor.u32 v0, v5  }
0x24: {  	v4 =	vperm.xlane v4, v3;
	[tilespmem:$0x230] =	vst v5;
	v5 =	vshll.u32 v10, $0x3;
	v61 =	vadd.s32 v2, v59  }
0x25: {  	v62 =	vshll.u32 v11, $0x3;
	[tilespmem:$0x240] =	vst v60;
	v5 =	vor.u32 v0, v5  }
0x26: {  	v63 =	vshll.u32 v57, $0x3;
	v4 =	vadd.s32 v2, v4;
	[tilespmem:$0x250] =	vst v5;
	v5 =	vor.u32 v0, v62  }
0x27: {  	[tilespmem:$0x260] =	vst v5;
	v5 =	vor.u32 v0, v63  }
0x28: {  	[tilespmem:$0x270] =	vst v5  }
0x29: {  	[tilespmem:s8], [sflag:$0x1] =	stream.indirect_vreg.gather [hbm4b:s2+s3], $0x80, v61, vm0, $0xb8;
	[tilespmem:$0x8280] =	vst v63  }
0x2a: {  	_ = 	snop  }
0x2b: {  	[tilespmem:s9], [sflag:$0x1] =	stream.indirect_vreg.gather [hbm4b:s2+s3], $0x80, v4, vm0, $0xb8;
	[tilespmem:$0x8280] =	vst v63  }
0x2c: {  	v4 =	vld [tilespmem:$0x210];
	_ =	sdelay $0x4  }
0x2d: {  	v5 =	vshll.u32 v4, $0x1  }
0x2e: {  	v4 =	vand.u32 $0x7, v4;
	v5 =	vand.u32 $0xFFFFFFF0, v5  }
0x2f: {  	v4 =	vor.u32 v4, v5  }
0x30: {  	v5 =	vperm.xlane v4, v1;
	_ =	sdelay $0x1  }
0x31: {  	v4 =	vperm.xlane v4, v3;
	v5 =	vadd.s32 v2, v5;
	_ =	sdelay $0x1  }
0x32: {  	v4 =	vadd.s32 v2, v4;
	_ =	sdelay $0x2  }
0x33: {  	[tilespmem:s10], [sflag:$0x1] =	stream.indirect_vreg.gather [hbm4b:s2+s3], $0x80, v5, vm0, $0xb8;
	[tilespmem:$0x8280] =	vst v63  }
0x34: {  	_ = 	snop  }
0x35: {  	[tilespmem:s11], [sflag:$0x1] =	stream.indirect_vreg.gather [hbm4b:s2+s3], $0x80, v4, vm0, $0xb8;
	[tilespmem:$0x8280] =	vst v63  }
0x36: {  	v4 =	vld [tilespmem:$0x220];
	_ =	sdelay $0x4  }
0x37: {  	v5 =	vshll.u32 v4, $0x1  }
0x38: {  	v4 =	vand.u32 $0x7, v4;
	v5 =	vand.u32 $0xFFFFFFF0, v5  }
0x39: {  	v4 =	vor.u32 v4, v5  }
0x3a: {  	v5 =	vperm.xlane v4, v1;
	_ =	sdelay $0x1  }
0x3b: {  	v4 =	vperm.xlane v4, v3;
	v5 =	vadd.s32 v2, v5;
	_ =	sdelay $0x1  }
0x3c: {  	v4 =	vadd.s32 v2, v4;
	_ =	sdelay $0x2  }
0x3d: {  	[tilespmem:s12], [sflag:$0x2] =	stream.indirect_vreg.gather [hbm4b:s2+s3], $0x80, v5, vm0, $0xb8;
	[tilespmem:$0x8280] =	vst v63  }
0x3e: {  	_ = 	snop  }
0x3f: {  	[tilespmem:s13], [sflag:$0x2] =	stream.indirect_vreg.gather [hbm4b:s2+s3], $0x80, v4, vm0, $0xb8;
	[tilespmem:$0x8280] =	vst v63  }
0x40: {  	v4 =	vld [tilespmem:$0x230];
	_ =	sdelay $0x4  }
0x41: {  	v5 =	vshll.u32 v4, $0x1  }
0x42: {  	v4 =	vand.u32 $0x7, v4;
	v5 =	vand.u32 $0xFFFFFFF0, v5  }
0x43: {  	v4 =	vor.u32 v4, v5  }
0x44: {  	v5 =	vperm.xlane v4, v1;
	_ =	sdelay $0x1  }
0x45: {  	v4 =	vperm.xlane v4, v3;
	v5 =	vadd.s32 v2, v5;
	_ =	sdelay $0x1  }
0x46: {  	v4 =	vadd.s32 v2, v4;
	_ =	sdelay $0x2  }
0x47: {  	[tilespmem:s14], [sflag:$0x2] =	stream.indirect_vreg.gather [hbm4b:s2+s3], $0x80, v5, vm0, $0xb8;
	[tilespmem:$0x8280] =	vst v63  }
0x48: {  	_ = 	snop  }
0x49: {  	[tilespmem:s15], [sflag:$0x2] =	stream.indirect_vreg.gather [hbm4b:s2+s3], $0x80, v4, vm0, $0xb8;
	[tilespmem:$0x8280] =	vst v63  }
0x4a: {  	v4 =	vld [tilespmem:$0x240];
	_ =	sdelay $0x4  }
0x4b: {  	v5 =	vshll.u32 v4, $0x1  }
0x4c: {  	v4 =	vand.u32 $0x7, v4;
	v5 =	vand.u32 $0xFFFFFFF0, v5  }
0x4d: {  	v4 =	vor.u32 v4, v5  }
0x4e: {  	v5 =	vperm.xlane v4, v1;
	_ =	sdelay $0x1  }
0x4f: {  	v4 =	vperm.xlane v4, v3;
	v5 =	vadd.s32 v2, v5;
	_ =	sdelay $0x1  }
0x50: {  	v4 =	vadd.s32 v2, v4;
	_ =	sdelay $0x2  }
0x51: {  	[tilespmem:s16], [sflag:$0x3] =	stream.indirect_vreg.gather [hbm4b:s2+s3], $0x80, v5, vm0, $0xb8;
	[tilespmem:$0x8280] =	vst v63  }
0x52: {  	_ = 	snop  }
0x53: {  	[tilespmem:s17], [sflag:$0x3] =	stream.indirect_vreg.gather [hbm4b:s2+s3], $0x80, v4, vm0, $0xb8;
	[tilespmem:$0x8280] =	vst v63  }
0x54: {  	v4 =	vld [tilespmem:$0x250];
	_ =	sdelay $0x4  }
0x55: {  	v5 =	vshll.u32 v4, $0x1  }
0x56: {  	v4 =	vand.u32 $0x7, v4;
	v5 =	vand.u32 $0xFFFFFFF0, v5  }
0x57: {  	v4 =	vor.u32 v4, v5  }
0x58: {  	v5 =	vperm.xlane v4, v1;
	_ =	sdelay $0x1  }
0x59: {  	v4 =	vperm.xlane v4, v3;
	v5 =	vadd.s32 v2, v5;
	_ =	sdelay $0x1  }
0x5a: {  	v4 =	vadd.s32 v2, v4;
	_ =	sdelay $0x2  }
0x5b: {  	[tilespmem:s18], [sflag:$0x3] =	stream.indirect_vreg.gather [hbm4b:s2+s3], $0x80, v5, vm0, $0xb8;
	[tilespmem:$0x8280] =	vst v63  }
0x5c: {  	_ = 	snop  }
0x5d: {  	[tilespmem:s19], [sflag:$0x3] =	stream.indirect_vreg.gather [hbm4b:s2+s3], $0x80, v4, vm0, $0xb8;
	[tilespmem:$0x8280] =	vst v63  }
0x5e: {  	v4 =	vld [tilespmem:$0x260];
	_ =	sdelay $0x4  }
0x5f: {  	v5 =	vshll.u32 v4, $0x1  }
0x60: {  	v4 =	vand.u32 $0x7, v4;
	v5 =	vand.u32 $0xFFFFFFF0, v5  }
0x61: {  	v4 =	vor.u32 v4, v5  }
0x62: {  	v5 =	vperm.xlane v4, v1;
	_ =	sdelay $0x1  }
0x63: {  	v4 =	vperm.xlane v4, v3;
	v5 =	vadd.s32 v2, v5;
	_ =	sdelay $0x1  }
0x64: {  	v4 =	vadd.s32 v2, v4;
	_ =	sdelay $0x2  }
0x65: {  	[tilespmem:s20], [sflag:$0x4] =	stream.indirect_vreg.gather [hbm4b:s2+s3], $0x80, v5, vm0, $0xb8;
	[tilespmem:$0x8280] =	vst v63  }
0x66: {  	_ = 	snop  }
0x67: {  	[tilespmem:s21], [sflag:$0x4] =	stream.indirect_vreg.gather [hbm4b:s2+s3], $0x80, v4, vm0, $0xb8;
	[tilespmem:$0x8280] =	vst v63  }
0x68: {  	v4 =	vld [tilespmem:$0x270];
	_ =	sdelay $0x4  }
0x69: {  	v5 =	vshll.u32 v4, $0x1  }
0x6a: {  	v4 =	vand.u32 $0x7, v4;
	v5 =	vand.u32 $0xFFFFFFF0, v5  }
0x6b: {  	v4 =	vor.u32 v4, v5  }
0x6c: {  	v5 =	vperm.xlane v4, v1;
	_ =	sdelay $0x1  }
0x6d: {  	v4 =	vperm.xlane v4, v3;
	v5 =	vadd.s32 v2, v5;
	_ =	sdelay $0x1  }
0x6e: {  	v4 =	vadd.s32 v2, v4;
	_ =	sdelay $0x2  }
0x6f: {  	[tilespmem:s22], [sflag:$0x4] =	stream.indirect_vreg.gather [hbm4b:s2+s3], $0x80, v5, vm0, $0xb8;
	[tilespmem:$0x8280] =	vst v63  }
0x70: {  	_ = 	snop  }
0x71: {  	[tilespmem:s23], [sflag:$0x4] =	stream.indirect_vreg.gather [hbm4b:s2+s3], $0x80, v4, vm0, $0xb8;
	[tilespmem:$0x8280] =	vst v63  }
0x72: {  	_ =	swait.ge [sflag:s24], $0x2000  }
0x73: {  	[sflag:s24] =	ssyncset.done $0x0  }
0x74: {  	s1 =	rddreg [dreg:$0x5];
	[sflag:s24] =	ssyncadd.s32 $0xFFFFE000  }
0x75: {  	[hbm4b:s1+s3] =	stream.linear.scatter [tilespmem:s8], [sflag:$0x5], $0x2000, $0x38;
	[tilespmem:$0x8280] =	vst v63  }
0x76: {  	_ =	swait.ge [sflag:s25], $0x2000  }
0x77: {  	[sflag:s25] =	ssyncset.done $0x0  }
0x78: {  	s1 =	rddreg [dreg:$0x6];
	[sflag:s25] =	ssyncadd.s32 $0xFFFFE000  }
0x79: {  	[hbm4b:s1+s3] =	stream.linear.scatter [tilespmem:s12], [sflag:$0x6], $0x2000, $0x38;
	[tilespmem:$0x8280] =	vst v63  }
0x7a: {  	_ =	swait.ge [sflag:s26], $0x2000  }
0x7b: {  	[sflag:s26] =	ssyncset.done $0x0  }
0x7c: {  	[sflag:s26] =	ssyncadd.s32 $0xFFFFE000  }
0x7d: {  	[hbm4b:s4+s3] =	stream.linear.scatter [tilespmem:s16], [sflag:$0x7], $0x2000, $0x38;
	[tilespmem:$0x8280] =	vst v63  }
0x7e: {  	_ =	swait.ge [sflag:s28], $0x2000  }
0x7f: {  	[sflag:s28] =	ssyncset.done $0x0  }
0x80: {  	[sflag:s28] =	ssyncadd.s32 $0xFFFFE000  }
0x81: {  	[hbm4b:s5+s3] =	stream.linear.scatter [tilespmem:s20], [sflag:$0x8], $0x2000, $0x38;
	[tilespmem:$0x8280] =	vst v63  }
0x82: {  	_ =	swait.ge [sflag:s29], $0x2000  }
0x83: {  	[sflag:s29] =	ssyncset.done $0x0  }
0x84: {  	[sflag:s29] =	ssyncadd.s32 $0xFFFFE000  }
0x85: {  	_ =	swait.ge [sflag:s30], $0x2000  }
0x86: {  	[sflag:s30] =	ssyncset.done $0x0  }
0x87: {  	[sflag:s30] =	ssyncadd.s32 $0xFFFFE000  }
0x88: {  	p0 =	sne.s32 s6, $0x1;
	_ =	swait.ge [sflag:s31], $0x2000  }
.Ltmp0:
0x89: {  	[sflag:s31] =	ssyncset.done $0x0;
	(pc) =	sbr.rel @p0 .LBB2_1-.Ltmp0, $4  }
0x8a: {  	[sflag:s31] =	ssyncadd.s32 $0xFFFFE000  }
0x8b: {  	_ =	swait.ge [sflag:s0], $0x2000  }
0x8c: {  	[sflag:s0] =	ssyncset.done $0x0  }
0x8d: {  	s6 =	sadd.s32 $0xFFFFFFFF, s6;
	[sflag:s0] =	ssyncadd.s32 $0xFFFFE000  }
0x8e: {  	_ =	sfence.sel $0x180000  }
0x8f: {  	[bflag:$0x0] =	sbarrier.arrive $0xFFFF  }
0x90: {  	_ =	strace $0x90000047  }
0x91: {  	s0 =	stileid.u32;
	[bflag:$0x2] =	sbarrier.arrive $0xFFFF  }
0x92: {  	p0 =	sne.s32 s0, $0x0;
	s0 =	rddreg [dreg:$0x3]  }
0x93: {  	s0 =	sadd.s32 @!p0 $0x100000, s0  }
0x94: {  	[sflag:s0] =	ssyncadd.tile.s32 @!p0 $0x1;
	_ =	shalt  }
.Lfunc_end2:
_tile_overlayer_lowered:
.L_overlay_start_2:
0x95: {  	(tag) =	ssettag $0x2  }
0x96: {  	s0 =	rddreg [dreg:$0x0];
	s2 =	stileid.u32  }
0x97: {  	s1 =	rddreg [dreg:$0x1];
	p0 =	sne.s32 s2, $0x0  }
0x98: {  	s3 =	rddreg [dreg:$0x2];
	[bflag:$0x3] =	sbarrier.arrive $0xFFFF;
	s2 =	simm.s32 @!p0 $0x1C09  }
0x99: {  	[timem:s3], [sflag:s2] =	dma.local @!p0 [hbm:s0], s1  }
0x9a: {  	s0 =	simm.s32 @!p0 $0x9  }
0x9b: {  	_ =	swait.ge @!p0 [sflag:s0], s1  }
0x9c: {  	s1 =	ssub.s32 @!p0 $0x0, s1;
	[sflag:s0] =	ssyncset.done @!p0 $0x0  }
0x9d: {  	[sflag:s0] =	ssyncadd.s32 @!p0 s1  }
0x9e: {  	[bflag:$0x3] =	sbarrier.arrive $0xFFFF  }
0x9f: {  	_ =	shalt  }

</sc_bundles>
